<compile_context>
chip_gen: v7x
topology: tpu7x:2x2x1
jax: 0.10.2.dev20260603
libtpu: 0.0.44.dev20260713+nightly
codegen_flags: <defaults>
</compile_context>

<pallas_src>
import functools

import jax
import jax.numpy as jnp
from jax import lax
from jax.experimental import pallas as pl
from jax.experimental.pallas import tpu as pltpu
from jax.experimental.pallas import tpu_sc as plsc

D = 128
NSEG = 1000
SEG_PAD = 1024
CHUNK = 80
NCHUNKS = 1250
NC = 2
NS = 16
NW = NC * NS
MAXCH = 40


def _sc_segment_sums(features, idx):
    mesh = plsc.VectorSubcoreMesh(core_axis_name="c", subcore_axis_name="s")

    @functools.partial(
        pl.kernel,
        mesh=mesh,
        out_type=[
            jax.ShapeDtypeStruct((NC, SEG_PAD, D), jnp.float32),
            jax.ShapeDtypeStruct((NC, SEG_PAD, D), jnp.float32),
        ],
        scratch_types=[
            pltpu.VMEM((CHUNK, D), jnp.float32),
            pltpu.VMEM((CHUNK, D), jnp.float32),
            pltpu.VMEM((CHUNK, D), jnp.float32),
            pltpu.VMEM((CHUNK,), jnp.int32),
            pltpu.VMEM((CHUNK,), jnp.int32),
            pltpu.VMEM_SHARED((SEG_PAD, D), jnp.float32),
            pltpu.VMEM_SHARED((SEG_PAD, D), jnp.float32),
            pltpu.SemaphoreType.DMA,
            pltpu.SemaphoreType.DMA,
            pltpu.SemaphoreType.DMA,
            pltpu.SemaphoreType.DMA,
        ],
    )
    def k(feat_hbm, idx_hbm, out_feat, out_cnt, buf0, buf1, ones_v, idx0,
          idx1, acc, acc_cnt, sf0, sf1, si0, si1):
        c = lax.axis_index("c")
        s = lax.axis_index("s")
        wid = s * NC + c
        rows = SEG_PAD // NS
        start = 39 * wid + jnp.minimum(wid, 2)
        n = jnp.where(wid < 2, 40, 39)

        def zrow(i, _):
            def zlane(j, _):
                buf0[i, pl.ds(j * 16, 16)] = jnp.zeros((16,), jnp.float32)
                return 0
            return lax.fori_loop(0, D // 16, zlane, 0)

        lax.fori_loop(0, rows, zrow, 0)
        pltpu.sync_copy(buf0.at[pl.ds(0, rows)], acc.at[pl.ds(s * rows, rows)])
        pltpu.sync_copy(buf0.at[pl.ds(0, rows)],
                        acc_cnt.at[pl.ds(s * rows, rows)])

        def orow(i, _):
            def olane(j, _):
                ones_v[i, pl.ds(j * 16, 16)] = jnp.ones((16,), jnp.float32)
                return 0
            return lax.fori_loop(0, D // 16, olane, 0)

        lax.fori_loop(0, CHUNK, orow, 0)
        plsc.subcore_barrier()

        bufs = (buf0, buf1)
        idxs = (idx0, idx1)
        sfs = (sf0, sf1)
        sis = (si0, si1)

        def dma_pair(lc, slot):
            a = (start + lc) * CHUNK
            return (pltpu.make_async_copy(feat_hbm.at[pl.ds(a, CHUNK)],
                                          bufs[slot], sfs[slot]),
                    pltpu.make_async_copy(idx_hbm.at[pl.ds(a, CHUNK)],
                                          idxs[slot], sis[slot]))

        def fire(lc, slot):
            f, i = dma_pair(lc, slot)
            f.start()
            i.start()

        def drain(lc, slot):
            f, i = dma_pair(lc, slot)
            f.wait()
            i.wait()

        def scatter(slot):
            pltpu.sync_copy(bufs[slot], acc.at[idxs[slot]], add=True)
            pltpu.sync_copy(ones_v, acc_cnt.at[idxs[slot]], add=True)

        fire(0, 0)

        def body(p, _):
            c0 = 2 * p

            for q in range(2):
                cq = c0 + q

                @pl.when(cq < n)
                def _():
                    drain(cq, q)

                    @pl.when(cq + 1 < n)
                    def _():
                        fire(cq + 1, 1 - q)

                    scatter(q)

            return 0

        lax.fori_loop(0, MAXCH // 2, body, 0)
        plsc.subcore_barrier()

        @pl.when(s == 0)
        def _():
            pltpu.sync_copy(acc, out_feat.at[c])
            pltpu.sync_copy(acc_cnt, out_cnt.at[c])

    return k(features, idx)


def _tc_finish(pf, pc, W, b2):
    def body(pf_ref, pc_ref, w_ref, b_ref, o_ref):
        seg = pf_ref[0] + pf_ref[1]
        cnt = pc_ref[0] + pc_ref[1]
        r = jnp.dot(seg, w_ref[...], preferred_element_type=jnp.float32)
        r = r + cnt[:, 0:1] * b_ref[...]
        o_ref[...] = r[:NSEG]

    return pl.pallas_call(
        body,
        out_shape=jax.ShapeDtypeStruct((NSEG, D), jnp.float32),
    )(pf, pc, W, b2)


def kernel(features, structural_indices, W, b):
    pf, pc = _sc_segment_sums(features, structural_indices)
    return _tc_finish(pf, pc, W, b.reshape(1, D))

# --- scband reference (transcript-rebuilt; emitter-appended) ---
"""Pipeline reference for scband-atomistic-27839978013279 (READ-ONLY COPY).

The authoritative reference and input builder live on the scoring server;
editing this copy changes nothing except your own understanding.
"""

import jax, jax.numpy as jnp
import numpy as np

N_ATOMS = 100000
D_FEAT = 128
N_STRUCTURES = 1000


def setup_inputs(seed: int = 0) -> dict:
    key = jax.random.key(seed)
    k1, k2, k3, k4 = jax.random.split(key, 4)
    features = jax.random.normal(k1, (N_ATOMS, D_FEAT), dtype=jnp.float32)
    structural_indices = jnp.sort(
        jax.random.randint(k2, (N_ATOMS,), 0, N_STRUCTURES, dtype=jnp.int32)
    )
    # Learned params of the wrapped per-atom model (single linear model, non
    # central-specific branch of Atomistic).
    W = jax.random.normal(k3, (D_FEAT, D_FEAT), dtype=jnp.float32) * 0.05
    b = jax.random.normal(k4, (D_FEAT,), dtype=jnp.float32) * 0.05
    return {"features": features, "structural_indices": structural_indices, "W": W, "b": b}


def reference(features, structural_indices, W, b):
    # Atomistic.forward, non central-specific path with a single linear model:
    #   result = self.model(X)   (per-atom model applied to features)
    h = features @ W + b
    # Accumulator.forward: zeros[n_structures, d].index_add_(0, structural_indices, h)
    # == segment sum of per-atom predictions into per-structure predictions.
    out = jax.ops.segment_sum(h, structural_indices, num_segments=N_STRUCTURES)
    return out

if __name__ == "__main__":
    import jax
    _d = setup_inputs()
    print(jax.jit(kernel)(*tuple(_d.values())))

</pallas_src>

<mosaic_0001>
#map = affine_map<(d0, d1) -> (0, 0)>
#map1 = affine_map<(d0, d1) -> (0)>
#map2 = affine_map<(d0, d1) -> (0, 0, 0)>
module attributes {stable_mosaic.version = 14 : i64} {
  func.func @k(%arg0: i32, %arg1: i32, %arg2: memref<100000x128xf32, #tpu.memory_space<hbm>>, %arg3: memref<100000xi32, #tpu.memory_space<hbm>>, %arg4: memref<2x1024x128xf32, #tpu.memory_space<hbm>>, %arg5: memref<2x1024x128xf32, #tpu.memory_space<hbm>>, %arg6: memref<80x128xf32, #tpu.memory_space<vmem>>, %arg7: memref<80x128xf32, #tpu.memory_space<vmem>>, %arg8: memref<80x128xf32, #tpu.memory_space<vmem>>, %arg9: memref<80xi32, #tpu.memory_space<vmem>>, %arg10: memref<80xi32, #tpu.memory_space<vmem>>, %arg11: memref<1024x128xf32, #tpu.memory_space<vmem_shared>>, %arg12: memref<1024x128xf32, #tpu.memory_space<vmem_shared>>, %arg13: memref<!tpu.dma_semaphore, #tpu.memory_space<semaphore_mem>>, %arg14: memref<!tpu.dma_semaphore, #tpu.memory_space<semaphore_mem>>, %arg15: memref<!tpu.dma_semaphore, #tpu.memory_space<semaphore_mem>>, %arg16: memref<!tpu.dma_semaphore, #tpu.memory_space<semaphore_mem>>) attributes {dimension_semantics = [#tpu.dimension_semantics<core_parallel>, #tpu.dimension_semantics<subcore_parallel>], iteration_bounds = array<i64: 2, 16>, scalar_prefetch = 0 : i64, scratch_operands = 11 : i64, tpu.core_type = #tpu.core_type<sc_vector_subcore>, window_params = [{transform_indices = #map}, {transform_indices = #map1}, {transform_indices = #map2}, {transform_indices = #map2}]} {
    %mul3A = arith.constant 2 : i32
    %mul3A_0 = arith.muli %arg1, %mul3A : i32
    %add3A = arith.addi %mul3A_0, %arg0 : i32
    %mul3A_1 = arith.constant 39 : i32
    %mul3A_2 = arith.muli %mul3A_1, %add3A : i32
    %min3A = arith.constant 2 : i32
    %min3A_3 = arith.minsi %add3A, %min3A : i32
    %add3A_4 = arith.addi %mul3A_2, %min3A_3 : i32
    %lt3A = arith.constant 2 : i32
    %lt3A_5 = arith.cmpi slt, %add3A, %lt3A : i32
    %jit3A = arith.constant 40 : i32
    %jit3A_6 = arith.constant 39 : i32
    %select_n3A = arith.select %lt3A_5, %jit3A, %jit3A_6 : i32
    %scan3A = arith.constant 0 : i32
    %scan3A_7 = arith.constant 0 : i32
    %scan3A_8 = arith.constant 64 : i32
    %scan3A_9 = arith.addi %scan3A_7, %scan3A_8 : i32
    %scan3A_10 = arith.constant 1 : i32
    %scan3A_11 = scf.for %scan3A_43 = %scan3A_7 to %scan3A_9 step %scan3A_10 iter_args(%scan3A_44 = %scan3A) -> (i32)  : i32 {
      %scan3A_45 = arith.constant 0 : i32
      %scan3A_46 = arith.constant 0 : i32
      %scan3A_47 = arith.constant 8 : i32
      %scan3A_48 = arith.addi %scan3A_46, %scan3A_47 : i32
      %scan3A_49 = arith.constant 1 : i32
      %scan3A_50 = scf.for %scan3A_52 = %scan3A_46 to %scan3A_48 step %scan3A_49 iter_args(%scan3A_53 = %scan3A_45) -> (i32)  : i32 {
        %broadcast_in_dim3A = arith.constant 0.000000e+00 : f32
        %broadcast_in_dim3A_54 = vector.broadcast %broadcast_in_dim3A : f32 to vector<16xf32>
        %mul3A_55 = arith.constant 16 : i32
        %mul3A_56 = arith.muli %scan3A_52, %mul3A_55 : i32
        %swap3A = arith.index_cast %scan3A_43 : i32 to index
        %swap3A_57 = arith.index_cast %mul3A_56 : i32 to index
        %swap3A_58 = tpu.vector_load %arg6[%swap3A, %swap3A_57] {strides = array<i32>} : memref<80x128xf32, #tpu.memory_space<vmem>>, vector<1x16xf32>,
        %swap3A_59 = vector.shape_cast %swap3A_58 : vector<1x16xf32> to vector<16xf32>
        %swap3A_60 = vector.shape_cast %broadcast_in_dim3A_54 : vector<16xf32> to vector<1x16xf32>
        tpu.vector_store %arg6[%swap3A, %swap3A_57], %swap3A_60 {strides = array<i32>} : memref<80x128xf32, #tpu.memory_space<vmem>>, vector<1x16xf32>,
        %scan3A_61 = arith.constant 0 : i32
        scf.yield %scan3A_61 : i32
      }
      %scan3A_51 = arith.constant 8 : i32
      scf.yield %scan3A_50 : i32
    }
    %scan3A_12 = arith.constant 64 : i32
    %mul3A_13 = arith.constant 64 : i32
    %mul3A_14 = arith.muli %arg1, %mul3A_13 : i32
    "tpu.region"() ({
      %run_scoped3A = tpu.sem_alloc : memref<!tpu.dma_semaphore, #tpu.memory_space<semaphore_mem>>
      %dma_start3A_43 = arith.constant 0 : i32
      %dma_start3A_44 = arith.constant 0 : i32
      %dma_start3A_45 = tpu.memref_slice %arg6[%dma_start3A_43, %dma_start3A_44] : memref<80x128xf32, #tpu.memory_space<vmem>> -> memref<64x128xf32, #tpu.memory_space<vmem>>
      %dma_start3A_46 = arith.constant 0 : i32
      %dma_start3A_47 = tpu.memref_slice %arg11[%mul3A_14, %dma_start3A_46] : memref<1024x128xf32, #tpu.memory_space<vmem_shared>> -> memref<64x128xf32, #tpu.memory_space<vmem_shared>>
      %dma_start3A_48 = arith.constant 0 : i32
      %dma_start3A_49 = tpu.memref_slice %arg11[%mul3A_14, %dma_start3A_48] : memref<1024x128xf32, #tpu.memory_space<vmem_shared>> -> memref<64x128xf32, #tpu.memory_space<vmem_shared>>
      %dma_start3A_50 = arith.constant 0 : i32
      %dma_start3A_51 = arith.constant 0 : i32
      %dma_start3A_52 = tpu.memref_slice %arg6[%dma_start3A_50, %dma_start3A_51] : memref<80x128xf32, #tpu.memory_space<vmem>> -> memref<64x128xf32, #tpu.memory_space<vmem>>
      tpu.enqueue_dma source(%dma_start3A_52 : memref<64x128xf32, #tpu.memory_space<vmem>>) target(%dma_start3A_49 : memref<64x128xf32, #tpu.memory_space<vmem_shared>>) target_semaphore(%run_scoped3A : memref<!tpu.dma_semaphore, #tpu.memory_space<semaphore_mem>>)
      %dma_wait3A = arith.constant 0 : i32
      %dma_wait3A_53 = arith.constant 0 : i32
      %dma_wait3A_54 = tpu.memref_slice %arg6[%dma_wait3A, %dma_wait3A_53] : memref<80x128xf32, #tpu.memory_space<vmem>> -> memref<64x128xf32, #tpu.memory_space<vmem>>
      %dma_wait3A_55 = arith.constant 0 : i32
      %dma_wait3A_56 = tpu.memref_slice %arg11[%mul3A_14, %dma_wait3A_55] : memref<1024x128xf32, #tpu.memory_space<vmem_shared>> -> memref<64x128xf32, #tpu.memory_space<vmem_shared>>
      %dma_wait3A_57 = arith.constant 0 : i32
      %dma_wait3A_58 = tpu.memref_slice %arg11[%mul3A_14, %dma_wait3A_57] : memref<1024x128xf32, #tpu.memory_space<vmem_shared>> -> memref<64x128xf32, #tpu.memory_space<vmem_shared>>
      %dma_wait3A_59 = arith.constant 0 : i32
      %dma_wait3A_60 = arith.constant 0 : i32
      %dma_wait3A_61 = tpu.memref_slice %arg6[%dma_wait3A_59, %dma_wait3A_60] : memref<80x128xf32, #tpu.memory_space<vmem>> -> memref<64x128xf32, #tpu.memory_space<vmem>>
      tpu.wait_dma2 semaphore(%run_scoped3A : memref<!tpu.dma_semaphore, #tpu.memory_space<semaphore_mem>>) src(%dma_wait3A_61 : memref<64x128xf32, #tpu.memory_space<vmem>>) dst(%dma_wait3A_58 : memref<64x128xf32, #tpu.memory_space<vmem_shared>>)
      tpu.yield
    }) : () -> ()
    %mul3A_15 = arith.constant 64 : i32
    %mul3A_16 = arith.muli %arg1, %mul3A_15 : i32
    "tpu.region"() ({
      %run_scoped3A = tpu.sem_alloc : memref<!tpu.dma_semaphore, #tpu.memory_space<semaphore_mem>>
      %dma_start3A_43 = arith.constant 0 : i32
      %dma_start3A_44 = arith.constant 0 : i32
      %dma_start3A_45 = tpu.memref_slice %arg6[%dma_start3A_43, %dma_start3A_44] : memref<80x128xf32, #tpu.memory_space<vmem>> -> memref<64x128xf32, #tpu.memory_space<vmem>>
      %dma_start3A_46 = arith.constant 0 : i32
      %dma_start3A_47 = tpu.memref_slice %arg12[%mul3A_16, %dma_start3A_46] : memref<1024x128xf32, #tpu.memory_space<vmem_shared>> -> memref<64x128xf32, #tpu.memory_space<vmem_shared>>
      %dma_start3A_48 = arith.constant 0 : i32
      %dma_start3A_49 = tpu.memref_slice %arg12[%mul3A_16, %dma_start3A_48] : memref<1024x128xf32, #tpu.memory_space<vmem_shared>> -> memref<64x128xf32, #tpu.memory_space<vmem_shared>>
      %dma_start3A_50 = arith.constant 0 : i32
      %dma_start3A_51 = arith.constant 0 : i32
      %dma_start3A_52 = tpu.memref_slice %arg6[%dma_start3A_50, %dma_start3A_51] : memref<80x128xf32, #tpu.memory_space<vmem>> -> memref<64x128xf32, #tpu.memory_space<vmem>>
      tpu.enqueue_dma source(%dma_start3A_52 : memref<64x128xf32, #tpu.memory_space<vmem>>) target(%dma_start3A_49 : memref<64x128xf32, #tpu.memory_space<vmem_shared>>) target_semaphore(%run_scoped3A : memref<!tpu.dma_semaphore, #tpu.memory_space<semaphore_mem>>)
      %dma_wait3A = arith.constant 0 : i32
      %dma_wait3A_53 = arith.constant 0 : i32
      %dma_wait3A_54 = tpu.memref_slice %arg6[%dma_wait3A, %dma_wait3A_53] : memref<80x128xf32, #tpu.memory_space<vmem>> -> memref<64x128xf32, #tpu.memory_space<vmem>>
      %dma_wait3A_55 = arith.constant 0 : i32
      %dma_wait3A_56 = tpu.memref_slice %arg12[%mul3A_16, %dma_wait3A_55] : memref<1024x128xf32, #tpu.memory_space<vmem_shared>> -> memref<64x128xf32, #tpu.memory_space<vmem_shared>>
      %dma_wait3A_57 = arith.constant 0 : i32
      %dma_wait3A_58 = tpu.memref_slice %arg12[%mul3A_16, %dma_wait3A_57] : memref<1024x128xf32, #tpu.memory_space<vmem_shared>> -> memref<64x128xf32, #tpu.memory_space<vmem_shared>>
      %dma_wait3A_59 = arith.constant 0 : i32
      %dma_wait3A_60 = arith.constant 0 : i32
      %dma_wait3A_61 = tpu.memref_slice %arg6[%dma_wait3A_59, %dma_wait3A_60] : memref<80x128xf32, #tpu.memory_space<vmem>> -> memref<64x128xf32, #tpu.memory_space<vmem>>
      tpu.wait_dma2 semaphore(%run_scoped3A : memref<!tpu.dma_semaphore, #tpu.memory_space<semaphore_mem>>) src(%dma_wait3A_61 : memref<64x128xf32, #tpu.memory_space<vmem>>) dst(%dma_wait3A_58 : memref<64x128xf32, #tpu.memory_space<vmem_shared>>)
      tpu.yield
    }) : () -> ()
    %scan3A_17 = arith.constant 0 : i32
    %scan3A_18 = arith.constant 0 : i32
    %scan3A_19 = arith.constant 80 : i32
    %scan3A_20 = arith.addi %scan3A_18, %scan3A_19 : i32
    %scan3A_21 = arith.constant 1 : i32
    %scan3A_22 = scf.for %scan3A_43 = %scan3A_18 to %scan3A_20 step %scan3A_21 iter_args(%scan3A_44 = %scan3A_17) -> (i32)  : i32 {
      %scan3A_45 = arith.constant 0 : i32
      %scan3A_46 = arith.constant 0 : i32
      %scan3A_47 = arith.constant 8 : i32
      %scan3A_48 = arith.addi %scan3A_46, %scan3A_47 : i32
      %scan3A_49 = arith.constant 1 : i32
      %scan3A_50 = scf.for %scan3A_52 = %scan3A_46 to %scan3A_48 step %scan3A_49 iter_args(%scan3A_53 = %scan3A_45) -> (i32)  : i32 {
        %broadcast_in_dim3A = arith.constant 1.000000e+00 : f32
        %broadcast_in_dim3A_54 = vector.broadcast %broadcast_in_dim3A : f32 to vector<16xf32>
        %mul3A_55 = arith.constant 16 : i32
        %mul3A_56 = arith.muli %scan3A_52, %mul3A_55 : i32
        %swap3A = arith.index_cast %scan3A_43 : i32 to index
        %swap3A_57 = arith.index_cast %mul3A_56 : i32 to index
        %swap3A_58 = tpu.vector_load %arg8[%swap3A, %swap3A_57] {strides = array<i32>} : memref<80x128xf32, #tpu.memory_space<vmem>>, vector<1x16xf32>,
        %swap3A_59 = vector.shape_cast %swap3A_58 : vector<1x16xf32> to vector<16xf32>
        %swap3A_60 = vector.shape_cast %broadcast_in_dim3A_54 : vector<16xf32> to vector<1x16xf32>
        tpu.vector_store %arg8[%swap3A, %swap3A_57], %swap3A_60 {strides = array<i32>} : memref<80x128xf32, #tpu.memory_space<vmem>>, vector<1x16xf32>,
        %scan3A_61 = arith.constant 0 : i32
        scf.yield %scan3A_61 : i32
      }
      %scan3A_51 = arith.constant 8 : i32
      scf.yield %scan3A_50 : i32
    }
    %scan3A_23 = arith.constant 80 : i32
    %barrier3A = arith.constant 0 : index
    tpu.barrier barrier_id(%barrier3A)
    %add3A_24 = arith.constant 0 : i32
    %add3A_25 = arith.addi %add3A_4, %add3A_24 : i32
    %mul3A_26 = arith.constant 80 : i32
    %mul3A_27 = arith.muli %add3A_25, %mul3A_26 : i32
    %dma_start3A = arith.constant 0 : i32
    %dma_start3A_28 = tpu.memref_slice %arg2[%mul3A_27, %dma_start3A] : memref<100000x128xf32, #tpu.memory_space<hbm>> -> memref<80x128xf32, #tpu.memory_space<hbm>>
    %dma_start3A_29 = arith.constant 0 : i32
    %dma_start3A_30 = tpu.memref_slice %arg2[%mul3A_27, %dma_start3A_29] : memref<100000x128xf32, #tpu.memory_space<hbm>> -> memref<80x128xf32, #tpu.memory_space<hbm>>
    tpu.enqueue_dma source(%dma_start3A_30 : memref<80x128xf32, #tpu.memory_space<hbm>>) target(%arg6 : memref<80x128xf32, #tpu.memory_space<vmem>>) target_semaphore(%arg13 : memref<!tpu.dma_semaphore, #tpu.memory_space<semaphore_mem>>)
    %dma_start3A_31 = tpu.memref_slice %arg3[%mul3A_27] : memref<100000xi32, #tpu.memory_space<hbm>> -> memref<80xi32, #tpu.memory_space<hbm>>
    %dma_start3A_32 = tpu.memref_slice %arg3[%mul3A_27] : memref<100000xi32, #tpu.memory_space<hbm>> -> memref<80xi32, #tpu.memory_space<hbm>>
    tpu.enqueue_dma source(%dma_start3A_32 : memref<80xi32, #tpu.memory_space<hbm>>) target(%arg9 : memref<80xi32, #tpu.memory_space<vmem>>) target_semaphore(%arg15 : memref<!tpu.dma_semaphore, #tpu.memory_space<semaphore_mem>>)
    %scan3A_33 = arith.constant 0 : i32
    %scan3A_34 = arith.constant 0 : i32
    %scan3A_35 = arith.constant 20 : i32
    %scan3A_36 = arith.addi %scan3A_34, %scan3A_35 : i32
    %scan3A_37 = arith.constant 1 : i32
    %scan3A_38 = scf.for %scan3A_43 = %scan3A_34 to %scan3A_36 step %scan3A_37 iter_args(%scan3A_44 = %scan3A_33) -> (i32)  : i32 {
      %mul3A_45 = arith.constant 2 : i32
      %mul3A_46 = arith.muli %mul3A_45, %scan3A_43 : i32
      %add3A_47 = arith.constant 0 : i32
      %add3A_48 = arith.addi %mul3A_46, %add3A_47 : i32
      %lt3A_49 = arith.cmpi slt, %add3A_48, %select_n3A : i32
      %convert_element_type3A_50 = arith.extui %lt3A_49 : i1 to i32
      %cond3A_51 = arith.constant 0 : i32
      %cond3A_52 = arith.cmpi ne, %convert_element_type3A_50, %cond3A_51 : i32
      scf.if %cond3A_52 {
        %add3A_60 = arith.addi %add3A_4, %add3A_48 : i32
        %mul3A_61 = arith.constant 80 : i32
        %mul3A_62 = arith.muli %add3A_60, %mul3A_61 : i32
        %dma_wait3A = arith.constant 0 : i32
        %dma_wait3A_63 = tpu.memref_slice %arg2[%mul3A_62, %dma_wait3A] : memref<100000x128xf32, #tpu.memory_space<hbm>> -> memref<80x128xf32, #tpu.memory_space<hbm>>
        %dma_wait3A_64 = arith.constant 0 : i32
        %dma_wait3A_65 = tpu.memref_slice %arg2[%mul3A_62, %dma_wait3A_64] : memref<100000x128xf32, #tpu.memory_space<hbm>> -> memref<80x128xf32, #tpu.memory_space<hbm>>
        tpu.wait_dma2 semaphore(%arg13 : memref<!tpu.dma_semaphore, #tpu.memory_space<semaphore_mem>>) src(%dma_wait3A_65 : memref<80x128xf32, #tpu.memory_space<hbm>>) dst(%arg6 : memref<80x128xf32, #tpu.memory_space<vmem>>)
        %dma_wait3A_66 = tpu.memref_slice %arg3[%mul3A_62] : memref<100000xi32, #tpu.memory_space<hbm>> -> memref<80xi32, #tpu.memory_space<hbm>>
        %dma_wait3A_67 = tpu.memref_slice %arg3[%mul3A_62] : memref<100000xi32, #tpu.memory_space<hbm>> -> memref<80xi32, #tpu.memory_space<hbm>>
        tpu.wait_dma2 semaphore(%arg15 : memref<!tpu.dma_semaphore, #tpu.memory_space<semaphore_mem>>) src(%dma_wait3A_67 : memref<80xi32, #tpu.memory_space<hbm>>) dst(%arg9 : memref<80xi32, #tpu.memory_space<vmem>>)
        %add3A_68 = arith.constant 1 : i32
        %add3A_69 = arith.addi %add3A_48, %add3A_68 : i32
        %lt3A_70 = arith.cmpi slt, %add3A_69, %select_n3A : i32
        %convert_element_type3A_71 = arith.extui %lt3A_70 : i1 to i32
        %cond3A_72 = arith.constant 0 : i32
        %cond3A_73 = arith.cmpi ne, %convert_element_type3A_71, %cond3A_72 : i32
        scf.if %cond3A_73 {
          %add3A_74 = arith.constant 1 : i32
          %add3A_75 = arith.addi %add3A_48, %add3A_74 : i32
          %add3A_76 = arith.addi %add3A_4, %add3A_75 : i32
          %mul3A_77 = arith.constant 80 : i32
          %mul3A_78 = arith.muli %add3A_76, %mul3A_77 : i32
          %dma_start3A_79 = arith.constant 0 : i32
          %dma_start3A_80 = tpu.memref_slice %arg2[%mul3A_78, %dma_start3A_79] : memref<100000x128xf32, #tpu.memory_space<hbm>> -> memref<80x128xf32, #tpu.memory_space<hbm>>
          %dma_start3A_81 = arith.constant 0 : i32
          %dma_start3A_82 = tpu.memref_slice %arg2[%mul3A_78, %dma_start3A_81] : memref<100000x128xf32, #tpu.memory_space<hbm>> -> memref<80x128xf32, #tpu.memory_space<hbm>>
          tpu.enqueue_dma source(%dma_start3A_82 : memref<80x128xf32, #tpu.memory_space<hbm>>) target(%arg7 : memref<80x128xf32, #tpu.memory_space<vmem>>) target_semaphore(%arg14 : memref<!tpu.dma_semaphore, #tpu.memory_space<semaphore_mem>>)
          %dma_start3A_83 = tpu.memref_slice %arg3[%mul3A_78] : memref<100000xi32, #tpu.memory_space<hbm>> -> memref<80xi32, #tpu.memory_space<hbm>>
          %dma_start3A_84 = tpu.memref_slice %arg3[%mul3A_78] : memref<100000xi32, #tpu.memory_space<hbm>> -> memref<80xi32, #tpu.memory_space<hbm>>
          tpu.enqueue_dma source(%dma_start3A_84 : memref<80xi32, #tpu.memory_space<hbm>>) target(%arg10 : memref<80xi32, #tpu.memory_space<vmem>>) target_semaphore(%arg16 : memref<!tpu.dma_semaphore, #tpu.memory_space<semaphore_mem>>)
        } else {
        }
        "tpu.region"() ({
          %run_scoped3A = tpu.sem_alloc : memref<!tpu.dma_semaphore, #tpu.memory_space<semaphore_mem>>
          %dma_start3A_74 = arith.constant 0 : i32
          %dma_start3A_75 = arith.constant 0 : i32
          %dma_start3A_76 = tpu.memref_slice %arg11[%dma_start3A_74, %dma_start3A_75] : memref<1024x128xf32, #tpu.memory_space<vmem_shared>> -> memref<1024x128xf32, #tpu.memory_space<vmem_shared>>
          tpu.enqueue_indirect_dma source(%arg6 : memref<80x128xf32, #tpu.memory_space<vmem>>) target(%dma_start3A_76 : memref<1024x128xf32, #tpu.memory_space<vmem_shared>>) offsets(%arg9 : memref<80xi32, #tpu.memory_space<vmem>>) semaphore(%run_scoped3A : memref<!tpu.dma_semaphore, #tpu.memory_space<semaphore_mem>>) {add = true}
          %dma_wait3A_77 = arith.constant 0 : i32
          %dma_wait3A_78 = arith.constant 0 : i32
          %dma_wait3A_79 = tpu.memref_slice %arg11[%dma_wait3A_77, %dma_wait3A_78] : memref<1024x128xf32, #tpu.memory_space<vmem_shared>> -> memref<1024x128xf32, #tpu.memory_space<vmem_shared>>
          tpu.wait_indirect_dma semaphore(%run_scoped3A : memref<!tpu.dma_semaphore, #tpu.memory_space<semaphore_mem>>) src(%arg6 : memref<80x128xf32, #tpu.memory_space<vmem>>) dst(%dma_wait3A_79 : memref<1024x128xf32, #tpu.memory_space<vmem_shared>>)
          tpu.yield
        }) : () -> ()
        "tpu.region"() ({
          %run_scoped3A = tpu.sem_alloc : memref<!tpu.dma_semaphore, #tpu.memory_space<semaphore_mem>>
          %dma_start3A_74 = arith.constant 0 : i32
          %dma_start3A_75 = arith.constant 0 : i32
          %dma_start3A_76 = tpu.memref_slice %arg12[%dma_start3A_74, %dma_start3A_75] : memref<1024x128xf32, #tpu.memory_space<vmem_shared>> -> memref<1024x128xf32, #tpu.memory_space<vmem_shared>>
          tpu.enqueue_indirect_dma source(%arg8 : memref<80x128xf32, #tpu.memory_space<vmem>>) target(%dma_start3A_76 : memref<1024x128xf32, #tpu.memory_space<vmem_shared>>) offsets(%arg9 : memref<80xi32, #tpu.memory_space<vmem>>) semaphore(%run_scoped3A : memref<!tpu.dma_semaphore, #tpu.memory_space<semaphore_mem>>) {add = true}
          %dma_wait3A_77 = arith.constant 0 : i32
          %dma_wait3A_78 = arith.constant 0 : i32
          %dma_wait3A_79 = tpu.memref_slice %arg12[%dma_wait3A_77, %dma_wait3A_78] : memref<1024x128xf32, #tpu.memory_space<vmem_shared>> -> memref<1024x128xf32, #tpu.memory_space<vmem_shared>>
          tpu.wait_indirect_dma semaphore(%run_scoped3A : memref<!tpu.dma_semaphore, #tpu.memory_space<semaphore_mem>>) src(%arg8 : memref<80x128xf32, #tpu.memory_space<vmem>>) dst(%dma_wait3A_79 : memref<1024x128xf32, #tpu.memory_space<vmem_shared>>)
          tpu.yield
        }) : () -> ()
      } else {
      }
      %add3A_53 = arith.constant 1 : i32
      %add3A_54 = arith.addi %mul3A_46, %add3A_53 : i32
      %lt3A_55 = arith.cmpi slt, %add3A_54, %select_n3A : i32
      %convert_element_type3A_56 = arith.extui %lt3A_55 : i1 to i32
      %cond3A_57 = arith.constant 0 : i32
      %cond3A_58 = arith.cmpi ne, %convert_element_type3A_56, %cond3A_57 : i32
      scf.if %cond3A_58 {
        %add3A_60 = arith.addi %add3A_4, %add3A_54 : i32
        %mul3A_61 = arith.constant 80 : i32
        %mul3A_62 = arith.muli %add3A_60, %mul3A_61 : i32
        %dma_wait3A = arith.constant 0 : i32
        %dma_wait3A_63 = tpu.memref_slice %arg2[%mul3A_62, %dma_wait3A] : memref<100000x128xf32, #tpu.memory_space<hbm>> -> memref<80x128xf32, #tpu.memory_space<hbm>>
        %dma_wait3A_64 = arith.constant 0 : i32
        %dma_wait3A_65 = tpu.memref_slice %arg2[%mul3A_62, %dma_wait3A_64] : memref<100000x128xf32, #tpu.memory_space<hbm>> -> memref<80x128xf32, #tpu.memory_space<hbm>>
        tpu.wait_dma2 semaphore(%arg14 : memref<!tpu.dma_semaphore, #tpu.memory_space<semaphore_mem>>) src(%dma_wait3A_65 : memref<80x128xf32, #tpu.memory_space<hbm>>) dst(%arg7 : memref<80x128xf32, #tpu.memory_space<vmem>>)
        %dma_wait3A_66 = tpu.memref_slice %arg3[%mul3A_62] : memref<100000xi32, #tpu.memory_space<hbm>> -> memref<80xi32, #tpu.memory_space<hbm>>
        %dma_wait3A_67 = tpu.memref_slice %arg3[%mul3A_62] : memref<100000xi32, #tpu.memory_space<hbm>> -> memref<80xi32, #tpu.memory_space<hbm>>
        tpu.wait_dma2 semaphore(%arg16 : memref<!tpu.dma_semaphore, #tpu.memory_space<semaphore_mem>>) src(%dma_wait3A_67 : memref<80xi32, #tpu.memory_space<hbm>>) dst(%arg10 : memref<80xi32, #tpu.memory_space<vmem>>)
        %add3A_68 = arith.constant 1 : i32
        %add3A_69 = arith.addi %add3A_54, %add3A_68 : i32
        %lt3A_70 = arith.cmpi slt, %add3A_69, %select_n3A : i32
        %convert_element_type3A_71 = arith.extui %lt3A_70 : i1 to i32
        %cond3A_72 = arith.constant 0 : i32
        %cond3A_73 = arith.cmpi ne, %convert_element_type3A_71, %cond3A_72 : i32
        scf.if %cond3A_73 {
          %add3A_74 = arith.constant 1 : i32
          %add3A_75 = arith.addi %add3A_54, %add3A_74 : i32
          %add3A_76 = arith.addi %add3A_4, %add3A_75 : i32
          %mul3A_77 = arith.constant 80 : i32
          %mul3A_78 = arith.muli %add3A_76, %mul3A_77 : i32
          %dma_start3A_79 = arith.constant 0 : i32
          %dma_start3A_80 = tpu.memref_slice %arg2[%mul3A_78, %dma_start3A_79] : memref<100000x128xf32, #tpu.memory_space<hbm>> -> memref<80x128xf32, #tpu.memory_space<hbm>>
          %dma_start3A_81 = arith.constant 0 : i32
          %dma_start3A_82 = tpu.memref_slice %arg2[%mul3A_78, %dma_start3A_81] : memref<100000x128xf32, #tpu.memory_space<hbm>> -> memref<80x128xf32, #tpu.memory_space<hbm>>
          tpu.enqueue_dma source(%dma_start3A_82 : memref<80x128xf32, #tpu.memory_space<hbm>>) target(%arg6 : memref<80x128xf32, #tpu.memory_space<vmem>>) target_semaphore(%arg13 : memref<!tpu.dma_semaphore, #tpu.memory_space<semaphore_mem>>)
          %dma_start3A_83 = tpu.memref_slice %arg3[%mul3A_78] : memref<100000xi32, #tpu.memory_space<hbm>> -> memref<80xi32, #tpu.memory_space<hbm>>
          %dma_start3A_84 = tpu.memref_slice %arg3[%mul3A_78] : memref<100000xi32, #tpu.memory_space<hbm>> -> memref<80xi32, #tpu.memory_space<hbm>>
          tpu.enqueue_dma source(%dma_start3A_84 : memref<80xi32, #tpu.memory_space<hbm>>) target(%arg9 : memref<80xi32, #tpu.memory_space<vmem>>) target_semaphore(%arg15 : memref<!tpu.dma_semaphore, #tpu.memory_space<semaphore_mem>>)
        } else {
        }
        "tpu.region"() ({
          %run_scoped3A = tpu.sem_alloc : memref<!tpu.dma_semaphore, #tpu.memory_space<semaphore_mem>>
          %dma_start3A_74 = arith.constant 0 : i32
          %dma_start3A_75 = arith.constant 0 : i32
          %dma_start3A_76 = tpu.memref_slice %arg11[%dma_start3A_74, %dma_start3A_75] : memref<1024x128xf32, #tpu.memory_space<vmem_shared>> -> memref<1024x128xf32, #tpu.memory_space<vmem_shared>>
          tpu.enqueue_indirect_dma source(%arg7 : memref<80x128xf32, #tpu.memory_space<vmem>>) target(%dma_start3A_76 : memref<1024x128xf32, #tpu.memory_space<vmem_shared>>) offsets(%arg10 : memref<80xi32, #tpu.memory_space<vmem>>) semaphore(%run_scoped3A : memref<!tpu.dma_semaphore, #tpu.memory_space<semaphore_mem>>) {add = true}
          %dma_wait3A_77 = arith.constant 0 : i32
          %dma_wait3A_78 = arith.constant 0 : i32
          %dma_wait3A_79 = tpu.memref_slice %arg11[%dma_wait3A_77, %dma_wait3A_78] : memref<1024x128xf32, #tpu.memory_space<vmem_shared>> -> memref<1024x128xf32, #tpu.memory_space<vmem_shared>>
          tpu.wait_indirect_dma semaphore(%run_scoped3A : memref<!tpu.dma_semaphore, #tpu.memory_space<semaphore_mem>>) src(%arg7 : memref<80x128xf32, #tpu.memory_space<vmem>>) dst(%dma_wait3A_79 : memref<1024x128xf32, #tpu.memory_space<vmem_shared>>)
          tpu.yield
        }) : () -> ()
        "tpu.region"() ({
          %run_scoped3A = tpu.sem_alloc : memref<!tpu.dma_semaphore, #tpu.memory_space<semaphore_mem>>
          %dma_start3A_74 = arith.constant 0 : i32
          %dma_start3A_75 = arith.constant 0 : i32
          %dma_start3A_76 = tpu.memref_slice %arg12[%dma_start3A_74, %dma_start3A_75] : memref<1024x128xf32, #tpu.memory_space<vmem_shared>> -> memref<1024x128xf32, #tpu.memory_space<vmem_shared>>
          tpu.enqueue_indirect_dma source(%arg8 : memref<80x128xf32, #tpu.memory_space<vmem>>) target(%dma_start3A_76 : memref<1024x128xf32, #tpu.memory_space<vmem_shared>>) offsets(%arg10 : memref<80xi32, #tpu.memory_space<vmem>>) semaphore(%run_scoped3A : memref<!tpu.dma_semaphore, #tpu.memory_space<semaphore_mem>>) {add = true}
          %dma_wait3A_77 = arith.constant 0 : i32
          %dma_wait3A_78 = arith.constant 0 : i32
          %dma_wait3A_79 = tpu.memref_slice %arg12[%dma_wait3A_77, %dma_wait3A_78] : memref<1024x128xf32, #tpu.memory_space<vmem_shared>> -> memref<1024x128xf32, #tpu.memory_space<vmem_shared>>
          tpu.wait_indirect_dma semaphore(%run_scoped3A : memref<!tpu.dma_semaphore, #tpu.memory_space<semaphore_mem>>) src(%arg8 : memref<80x128xf32, #tpu.memory_space<vmem>>) dst(%dma_wait3A_79 : memref<1024x128xf32, #tpu.memory_space<vmem_shared>>)
          tpu.yield
        }) : () -> ()
      } else {
      }
      %scan3A_59 = arith.constant 0 : i32
      scf.yield %scan3A_59 : i32
    }
    %scan3A_39 = arith.constant 20 : i32
    %barrier3A_40 = arith.constant 0 : index
    tpu.barrier barrier_id(%barrier3A_40)
    %eq3A = arith.constant 0 : i32
    %eq3A_41 = arith.cmpi eq, %arg1, %eq3A : i32
    %convert_element_type3A = arith.extui %eq3A_41 : i1 to i32
    %cond3A = arith.constant 0 : i32
    %cond3A_42 = arith.cmpi ne, %convert_element_type3A, %cond3A : i32
    scf.if %cond3A_42 {
      "tpu.region"() ({
        %run_scoped3A = tpu.sem_alloc : memref<!tpu.dma_semaphore, #tpu.memory_space<semaphore_mem>>
        %dma_start3A_43 = arith.constant 0 : i32
        %dma_start3A_44 = arith.constant 0 : i32
        %dma_start3A_45 = tpu.memref_slice %arg4[%arg0, %dma_start3A_43, %dma_start3A_44] : memref<2x1024x128xf32, #tpu.memory_space<hbm>> -> memref<1x1024x128xf32, #tpu.memory_space<hbm>>
        %dma_start3A_46 = tpu.memref_squeeze %dma_start3A_45 : memref<1x1024x128xf32, #tpu.memory_space<hbm>> -> memref<1024x128xf32, #tpu.memory_space<hbm>>
        tpu.enqueue_dma source(%arg11 : memref<1024x128xf32, #tpu.memory_space<vmem_shared>>) target(%dma_start3A_46 : memref<1024x128xf32, #tpu.memory_space<hbm>>) target_semaphore(%run_scoped3A : memref<!tpu.dma_semaphore, #tpu.memory_space<semaphore_mem>>)
        %dma_wait3A = arith.constant 0 : i32
        %dma_wait3A_47 = arith.constant 0 : i32
        %dma_wait3A_48 = tpu.memref_slice %arg4[%arg0, %dma_wait3A, %dma_wait3A_47] : memref<2x1024x128xf32, #tpu.memory_space<hbm>> -> memref<1x1024x128xf32, #tpu.memory_space<hbm>>
        %dma_wait3A_49 = tpu.memref_squeeze %dma_wait3A_48 : memref<1x1024x128xf32, #tpu.memory_space<hbm>> -> memref<1024x128xf32, #tpu.memory_space<hbm>>
        tpu.wait_dma2 semaphore(%run_scoped3A : memref<!tpu.dma_semaphore, #tpu.memory_space<semaphore_mem>>) src(%arg11 : memref<1024x128xf32, #tpu.memory_space<vmem_shared>>) dst(%dma_wait3A_49 : memref<1024x128xf32, #tpu.memory_space<hbm>>)
        tpu.yield
      }) : () -> ()
      "tpu.region"() ({
        %run_scoped3A = tpu.sem_alloc : memref<!tpu.dma_semaphore, #tpu.memory_space<semaphore_mem>>
        %dma_start3A_43 = arith.constant 0 : i32
        %dma_start3A_44 = arith.constant 0 : i32
        %dma_start3A_45 = tpu.memref_slice %arg5[%arg0, %dma_start3A_43, %dma_start3A_44] : memref<2x1024x128xf32, #tpu.memory_space<hbm>> -> memref<1x1024x128xf32, #tpu.memory_space<hbm>>
        %dma_start3A_46 = tpu.memref_squeeze %dma_start3A_45 : memref<1x1024x128xf32, #tpu.memory_space<hbm>> -> memref<1024x128xf32, #tpu.memory_space<hbm>>
        tpu.enqueue_dma source(%arg12 : memref<1024x128xf32, #tpu.memory_space<vmem_shared>>) target(%dma_start3A_46 : memref<1024x128xf32, #tpu.memory_space<hbm>>) target_semaphore(%run_scoped3A : memref<!tpu.dma_semaphore, #tpu.memory_space<semaphore_mem>>)
        %dma_wait3A = arith.constant 0 : i32
        %dma_wait3A_47 = arith.constant 0 : i32
        %dma_wait3A_48 = tpu.memref_slice %arg5[%arg0, %dma_wait3A, %dma_wait3A_47] : memref<2x1024x128xf32, #tpu.memory_space<hbm>> -> memref<1x1024x128xf32, #tpu.memory_space<hbm>>
        %dma_wait3A_49 = tpu.memref_squeeze %dma_wait3A_48 : memref<1x1024x128xf32, #tpu.memory_space<hbm>> -> memref<1024x128xf32, #tpu.memory_space<hbm>>
        tpu.wait_dma2 semaphore(%run_scoped3A : memref<!tpu.dma_semaphore, #tpu.memory_space<semaphore_mem>>) src(%arg12 : memref<1024x128xf32, #tpu.memory_space<vmem_shared>>) dst(%dma_wait3A_49 : memref<1024x128xf32, #tpu.memory_space<hbm>>)
        tpu.yield
      }) : () -> ()
    } else {
    }
    return
  }
}

module attributes {stable_mosaic.version = 14 : i64} {
  func.func @body(%arg0: memref<2x1024x128xf32, #tpu.memory_space<vmem>>, %arg1: memref<2x1024x128xf32, #tpu.memory_space<vmem>>, %arg2: memref<128x128xf32, #tpu.memory_space<vmem>>, %arg3: memref<1x128xf32, #tpu.memory_space<vmem>>, %arg4: memref<1000x128xf32, #tpu.memory_space<vmem>>) attributes {dimension_semantics = [], scalar_prefetch = 0 : i64, scratch_operands = 0 : i64, tpu.core_type = #tpu.core_type<tc>} {
    %get3A = arith.constant 0 : index
    %get3A_0 = arith.constant 0 : index
    %get3A_1 = arith.constant 0 : index
    %get3A_2 = vector.load %arg0[%get3A, %get3A_0, %get3A_1] : memref<2x1024x128xf32, #tpu.memory_space<vmem>>, vector<1x1024x128xf32>
    %get3A_3 = vector.shape_cast %get3A_2 : vector<1x1024x128xf32> to vector<1024x128xf32>
    %get3A_4 = arith.constant 1 : index
    %get3A_5 = arith.constant 0 : index
    %get3A_6 = arith.constant 0 : index
    %get3A_7 = vector.load %arg0[%get3A_4, %get3A_5, %get3A_6] : memref<2x1024x128xf32, #tpu.memory_space<vmem>>, vector<1x1024x128xf32>
    %get3A_8 = vector.shape_cast %get3A_7 : vector<1x1024x128xf32> to vector<1024x128xf32>
    %add3A = arith.addf %get3A_3, %get3A_8 : vector<1024x128xf32>
    %get3A_9 = arith.constant 0 : index
    %get3A_10 = arith.constant 0 : index
    %get3A_11 = arith.constant 0 : index
    %get3A_12 = vector.load %arg1[%get3A_9, %get3A_10, %get3A_11] : memref<2x1024x128xf32, #tpu.memory_space<vmem>>, vector<1x1024x128xf32>
    %get3A_13 = vector.shape_cast %get3A_12 : vector<1x1024x128xf32> to vector<1024x128xf32>
    %get3A_14 = arith.constant 1 : index
    %get3A_15 = arith.constant 0 : index
    %get3A_16 = arith.constant 0 : index
    %get3A_17 = vector.load %arg1[%get3A_14, %get3A_15, %get3A_16] : memref<2x1024x128xf32, #tpu.memory_space<vmem>>, vector<1x1024x128xf32>
    %get3A_18 = vector.shape_cast %get3A_17 : vector<1x1024x128xf32> to vector<1024x128xf32>
    %add3A_19 = arith.addf %get3A_13, %get3A_18 : vector<1024x128xf32>
    %get3A_20 = arith.constant 0 : index
    %get3A_21 = arith.constant 0 : index
    %get3A_22 = vector.load %arg2[%get3A_20, %get3A_21] : memref<128x128xf32, #tpu.memory_space<vmem>>, vector<128x128xf32>
    %dot_general3A = arith.constant dense<0.000000e+00> : vector<1024x128xf32>
    %dot_general3A_23 = tpu.matmul %add3A, %get3A_22, %dot_general3A {dimension_numbers = #tpu.dot_dimension_numbers<[1], [0], [0], [1], [0, 0, 1, 1], [], []>, transpose_lhs_hint = false} : vector<1024x128xf32>, vector<128x128xf32>, vector<1024x128xf32> -> vector<1024x128xf32>
    %slice3A = vector.extract_strided_slice %add3A_19 {offsets = [0, 0], sizes = [1024, 1], strides = [1, 1]} : vector<1024x128xf32> to vector<1024x1xf32>
    %get3A_24 = arith.constant 0 : index
    %get3A_25 = arith.constant 0 : index
    %get3A_26 = vector.load %arg3[%get3A_24, %get3A_25] : memref<1x128xf32, #tpu.memory_space<vmem>>, vector<1x128xf32>
    %mul3A = vector.broadcast %slice3A : vector<1024x1xf32> to vector<1024x128xf32>
    %mul3A_27 = vector.broadcast %get3A_26 : vector<1x128xf32> to vector<1024x128xf32>
    %mul3A_28 = arith.mulf %mul3A, %mul3A_27 : vector<1024x128xf32>
    %add3A_29 = arith.addf %dot_general3A_23, %mul3A_28 : vector<1024x128xf32>
    %slice3A_30 = vector.extract_strided_slice %add3A_29 {offsets = [0, 0], sizes = [1000, 128], strides = [1, 1]} : vector<1024x128xf32> to vector<1000x128xf32>
    %swap3A = arith.constant 0 : index
    %swap3A_31 = arith.constant 0 : index
    %swap3A_32 = vector.load %arg4[%swap3A, %swap3A_31] : memref<1000x128xf32, #tpu.memory_space<vmem>>, vector<1000x128xf32>
    tpu.vector_store %arg4[%swap3A, %swap3A_31], %slice3A_30 {strides = array<i32>} : memref<1000x128xf32, #tpu.memory_space<vmem>>, vector<1000x128xf32>,
    return
  }
}

</mosaic_0001>

<sc_bundles>
// kernel: kernel.4.cloned.1.call-start
scs
__scs_entry_jumppad:
0x0: {  	(pc) =	sbr.rel $0x88, $3  }
0x1: {  	(tag) =	ssettag $0x0;
	lr =	simm.s32 $0x1  }
0x2: {  	[smem:$0x3F9D] =	sst lr;
	_ =	strace $0xD0000000  }
0x3: {  	_ = 	snop  }
0x4: {  	_ = 	snop  }
0x5: {  	_ = 	snop  }
0x6: {  	_ = 	snop  }
0x7: {  	_ = 	snop  }
__scs_overlays_trampoline_lowered:
0x8: {  	[smem:$0x3FAC] =	sst s0  }
0x9: {  	[smem:$0x3FAD] =	sst s1  }
0xa: {  	[smem:$0x3FAE] =	sst s2  }
0xb: {  	[smem:$0x3FAF] =	sst s3  }
0xc: {  	[smem:$0x3FB0] =	sst s4  }
0xd: {  	[smem:$0x3FB1] =	sst s5  }
0xe: {  	[smem:$0x3FB2] =	sst s6  }
0xf: {  	[smem:$0x3FB3] =	sst s7  }
0x10: {  	[smem:$0x3FB4] =	sst s8  }
0x11: {  	[smem:$0x3FB5] =	sst s9;
	s0 =	simm.s32 @!p0 $0x0  }
0x12: {  	s1 =	sld [smem:$0x3F9B];
	s0 =	simm.s32 @p0 $0x1  }
0x13: {  	[smem:$0x3FB6] =	sst s0;
	s0 =	simm.s32 @!p1 $0x0  }
0x14: {  	s2 =	sld [smem:$0x3F9A];
	s0 =	simm.s32 @p1 $0x1  }
0x15: {  	[smem:$0x3FB7] =	sst s0;
	s0 =	simm.s32 @!p2 $0x0  }
0x16: {  	s3 =	sld [smem:$0x3FDB];
	s0 =	simm.s32 @p2 $0x1  }
0x17: {  	s4 =	simm.s32 $0x1BF5;
	[smem:$0x3FB9] =	sst s0  }
0x18: {  	s0 =	sld [smem:$0x3F9C];
	_ =	swait.ge [sflag:s4], $0x0  }
0x19: {  	s7 =	sld [smem:$0x3F9D]  }
0x1a: {  	s8 =	sadd.s32 $0xFFFFE003, lr  }
0x1b: {  	s9 =	sadd.s32 $0xFFFFFEF7, lr;
	s5 =	simm.s32 $0xFFFFFFFF;
	p2 =	slt.u32 s8, $0xFFFFF086  }
0x1c: {  	p1 =	slt.u32 s9, $0xF7A;
	s5 =	simm.s32 @!p2 $0x0  }
0x1d: {  	s5 =	simm.s32 @p1 $0x1;
	p0 =	seq.s32 s7, s2  }
0x1e: {  	s7 =	smul.u32 @!p0 $0xF7A, s2;
	p2 =	seq.s32 @!p0 s5, $0x0  }
0x1f: {  	s9 =	smul.u32 $0xF7A, s1;
	s8 =	simm.s32 @!p0 $0x1BF5;
	p2 =	por !p2, p0  }
0x20: {  	[sflag:s8] =	ssyncset.s32 @!p0 $0xFFFFF086;
	s6 =	sadd.s32 @!p0 s3, s7;
	s7 =	simm.s32 @!p0 $0x108  }
0x21: {  	s3 =	sadd.s32 s3, s9;
	s6 =	sadd.s32 @!p0 $0x88, s6;
	s7 =	simm.s32 @p2 $0x1082  }
0x22: {  	[simem:s7], [sflag:s8] =	dma.local @!p0 [hbm:s6], $0xF7A  }
0x23: {  	s9 =	sor.u32 $0xD0000000, s2;
	s6 =	simm.s32 $0x108;
	_ =	swait.ge @!p0 [sflag:s8], $0x0  }
0x24: {  	s3 =	sadd.s32 $0x88, s3;
	s6 =	simm.s32 @!p1 $0x1082;
	[sflag:s4] =	ssyncset.s32 $0xFFFFF086  }
0x25: {  	[simem:s6], [sflag:s4] =	dma.local [hbm:s3], $0xF7A  }
0x26: {  	[smem:$0x3F9D] =	sst s1;
	(tag) =	ssettag s2;
	_ =	strace s9  }
0x27: {  	s1 =	sld [smem:$0x3FAD]  }
0x28: {  	s2 =	sld [smem:$0x3FAE]  }
0x29: {  	s4 =	sld [smem:$0x3FB0]  }
0x2a: {  	p0 =	seq.s32 s5, $0x0;
	s5 =	sld [smem:$0x3FB1]  }
0x2b: {  	s6 =	sld [smem:$0x3FB2]  }
0x2c: {  	s7 =	sld [smem:$0x3FB3]  }
0x2d: {  	s3 =	simm.s32 $0x108;
	s8 =	sld [smem:$0x3FB4]  }
0x2e: {  	s3 =	simm.s32 @!p0 $0x1082;
	s9 =	sld [smem:$0x3FB5]  }
0x2f: {  	lr =	sadd.s32 s0, s3;
	s0 =	sld [smem:$0x3FAC]  }
0x30: {  	s3 =	sld [smem:$0x3FAF]  }
0x31: {  	[smem:$0x3FB8] =	sst s10  }
0x32: {  	s10 =	sld [smem:$0x3FB6];
	_ =	sdelay $0x3  }
0x33: {  	p0 =	seq.s32 s10, $0x1;
	s10 =	sld [smem:$0x3FB8];
	_ =	sdelay $0x3  }
0x34: {  	[smem:$0x3FB8] =	sst s10  }
0x35: {  	s10 =	sld [smem:$0x3FB7];
	_ =	sdelay $0x3  }
0x36: {  	p1 =	seq.s32 s10, $0x1;
	s10 =	sld [smem:$0x3FB8];
	_ =	sdelay $0x3  }
0x37: {  	[smem:$0x3FB8] =	sst s10  }
0x38: {  	s10 =	sld [smem:$0x3FB9]  }
0x39: {  	_ = 	snop;
	(pc) =	sbr.ind lr, $3  }
0x3a: {  	_ = 	snop  }
0x3b: {  	_ = 	snop  }
0x3c: {  	p2 =	seq.s32 s10, $0x1;
	s10 =	sld [smem:$0x3FB8]  }
0x3d: {  	_ =	shalt  }
0x3e: {  	_ =	shalt  }
0x3f: {  	_ =	shalt  }
0x40: {  	_ =	shalt  }
0x41: {  	_ =	shalt  }
0x42: {  	_ =	shalt  }
0x43: {  	_ =	shalt  }
0x44: {  	_ =	shalt  }
0x45: {  	_ =	shalt  }
0x46: {  	_ =	shalt  }
0x47: {  	_ =	shalt  }
0x48: {  	_ =	shalt  }
0x49: {  	_ =	shalt  }
0x4a: {  	_ =	shalt  }
0x4b: {  	_ =	shalt  }
0x4c: {  	_ =	shalt  }
0x4d: {  	_ =	shalt  }
0x4e: {  	_ =	shalt  }
0x4f: {  	_ =	shalt  }
0x50: {  	_ =	shalt  }
0x51: {  	_ =	shalt  }
0x52: {  	_ =	shalt  }
0x53: {  	_ =	shalt  }
0x54: {  	_ =	shalt  }
0x55: {  	_ =	shalt  }
0x56: {  	_ =	shalt  }
0x57: {  	_ =	shalt  }
0x58: {  	_ =	shalt  }
0x59: {  	_ =	shalt  }
0x5a: {  	_ =	shalt  }
0x5b: {  	_ =	shalt  }
0x5c: {  	_ =	shalt  }
0x5d: {  	_ =	shalt  }
0x5e: {  	_ =	shalt  }
0x5f: {  	_ =	shalt  }
0x60: {  	_ =	shalt  }
0x61: {  	_ =	shalt  }
0x62: {  	_ =	shalt  }
0x63: {  	_ =	shalt  }
0x64: {  	_ =	shalt  }
0x65: {  	_ =	shalt  }
0x66: {  	_ =	shalt  }
0x67: {  	_ =	shalt  }
0x68: {  	_ =	shalt  }
0x69: {  	_ =	shalt  }
0x6a: {  	_ =	shalt  }
0x6b: {  	_ =	shalt  }
0x6c: {  	_ =	shalt  }
0x6d: {  	_ =	shalt  }
0x6e: {  	_ =	shalt  }
0x6f: {  	_ =	shalt  }
0x70: {  	_ =	shalt  }
0x71: {  	_ =	shalt  }
0x72: {  	_ =	shalt  }
0x73: {  	_ =	shalt  }
0x74: {  	_ =	shalt  }
0x75: {  	_ =	shalt  }
0x76: {  	_ =	shalt  }
0x77: {  	_ =	shalt  }
0x78: {  	_ =	shalt  }
0x79: {  	_ =	shalt  }
0x7a: {  	_ =	shalt  }
0x7b: {  	_ =	shalt  }
0x7c: {  	_ =	shalt  }
0x7d: {  	_ =	shalt  }
0x7e: {  	_ =	shalt  }
0x7f: {  	_ =	shalt  }
0x80: {  	_ =	shalt  }
0x81: {  	_ =	shalt  }
0x82: {  	_ =	shalt  }
0x83: {  	_ =	shalt  }
0x84: {  	_ =	shalt  }
0x85: {  	_ =	shalt  }
0x86: {  	_ =	shalt  }
0x87: {  	_ =	shalt  }
.Lfunc_end0:
.L_simem_size_0:
called_computation_lowered:
.L_overlay_start_0:
0x88: {  	s2 =	sld [smem:$0x3FD9]  }
0x89: {  	s3 =	sld [smem:$0x3FFE];
	_ =	sdelay $0x1  }
0x8a: {  	s1 =	srdreg.scid  }
0x8b: {  	s0 =	sand.u32 $0x1, s1  }
0x8c: {  	s17 =	sshll.u32 s0, $0xA;
	s2 =	sadd.s32 s3, s2  }
0x8d: {  	s2 =	sadd.s32 s2, s17  }
0x8e: {  	[smem:$0x3FC4] =	sst s2  }
0x8f: {  	_ = 	snop  }
0x90: {  	s2 =	sld [smem:$0x3FC9]  }
0x91: {  	s18 =	sld [smem:$0x3FC8];
	(tm) =	ssettm $0x1  }
0x92: {  	s4 =	sld [smem:$0x3FFB];
	_ =	sdelay $0x3  }
0x93: {  	_ =	strace s4  }
0x94: {  	s4 =	sld [smem:$0x3FFC];
	_ =	sdelay $0x3  }
0x95: {  	_ =	strace s4  }
0x96: {  	s4 =	sld [smem:$0x3FFD];
	_ =	sdelay $0x3  }
0x97: {  	_ =	strace s4  }
0x98: {  	_ =	strace $0x8FFFFFFF  }
0x99: {  	s19 =	sld [smem:$0x3FDB];
	_ =	sdelay $0x1  }
0x9a: {  	s5 =	simm.s32 $_scs_section_size  }
0x9b: {  	s6 =	simm.s32 $_size__tile_overlayer_lowered;
	s7 =	simm.s32 $_tile_overlayer_lowered  }
0x9c: {  	s22 =	simm.s32 $0x1BFF;
	s21 =	sshll.u32 s7, $0x1;
	s4 =	sadd.s32 s5, s19  }
0x9d: {  	s8 =	simm.s32 $0x0;
	s20 =	sshll.u32 s6, $0x1;
	s6 =	sadd.s32 s21, s4  }
0x9e: {  	[timem:s8], [sflag:s22] =	dma.local [hbm:s6], s20  }
0x9f: {  	_ =	swait.ge [sflag:s22], s20  }
0xa0: {  	s5 =	ssub.s32 $0x0, s20;
	[sflag:s22] =	ssyncset.done $0x0  }
0xa1: {  	[sflag:s22] =	ssyncadd.s32 s5;
	_ =	sdelay $0x1  }
0xa2: {  	s23 =	simm.s32 $0x1B8B  }
0xa3: {  	_ =	swait.ge [sflag:s23], $0x1  }
0xa4: {  	[sflag:s23] =	ssyncset.done $0x0  }
0xa5: {  	s25 =	simm.s32 $0x1B8E;
	s24 =	sld [smem:$0x3FFE];
	[sflag:s23] =	ssyncadd.s32 $0xFFFFFFFF  }
0xa6: {  	s26 =	simm.s32 $execute0_lowered;
	[smem:$0x3FD2] =	sst s25  }
0xa7: {  	s6 =	sshll.u32 s26, $0x1;
	_ =	strace $0x80000046;
	[dreg:$0x1] =	wrdreg $0xFFFFFFFF  }
0xa8: {  	s28 =	simm.s32 $_size_execute0_lowered;
	s4 =	sadd.s32 s4, s6;
	[dreg:$0x0] =	wrdreg $0x0  }
0xa9: {  	s6 =	sshll.u32 s28, $0x1;
	[dreg:$0x2] =	wrdreg s4  }
0xaa: {  	[dreg:$0x3] =	wrdreg s6  }
0xab: {  	[dreg:$0x4] =	wrdreg $0xC0  }
0xac: {  	_ =	task [dreg:s8], $0x5FFFF  }
0xad: {  	[dreg:$0x1] =	wrdreg $0xFFFFFFFF  }
0xae: {  	[dreg:$0x0] =	wrdreg $0x60  }
0xaf: {  	[dreg:$0x2] =	wrdreg s2  }
0xb0: {  	[dreg:$0x3] =	wrdreg s18  }
0xb1: {  	[dreg:$0x4] =	wrdreg s24  }
0xb2: {  	[dreg:$0x5] =	wrdreg $0x79000  }
0xb3: {  	[dreg:$0x6] =	wrdreg $0x99000  }
0xb4: {  	[dreg:$0x7] =	wrdreg $0x9  }
0xb5: {  	_ =	task.clear_ibuf [dreg:s8], $0x8FFFF;
	_ =	strace $0x90000046  }
0xb6: {  	s29 =	simm.s32 $0x9;
	_ =	strace $0x80000048  }
0xb7: {  	_ =	swait.ge [sflag:s29], $0x1  }
0xb8: {  	[sflag:s29] =	ssyncadd.s32 $0xFFFFFFFF  }
0xb9: {  	_ =	strace $0x90000048  }
0xba: {  	_ =	sfence  }
0xbb: {  	s30 =	sld [smem:$0x0];
	_ =	sdelay $0x2  }
0xbc: {  	s31 =	sshll.u32 s1, $0xD;
	s1 =	sshrl.u32 s1, $0x2  }
0xbd: {  	s3 =	sand.u32 $0x4000, s31;
	s1 =	sadd.s32 s1, s30  }
0xbe: {  	s0 =	sor.u32 s3, s0;
	s1 =	sshll.u32 s1, $0x11  }
0xbf: {  	s0 =	sor.u32 s1, s0  }
0xc0: {  	s0 =	sadd.s32 $0x8F2B, s0  }
0xc1: {  	[sflag:s0] =	ssyncadd.remote.s32 $0x1  }
0xc2: {  	_ =	sfence.sel $0xFFFF  }
0xc3: {  	[dreg:$0x0] =	wrdreg $0xFFFFFFFF;
	(pc) =	sbr.abs _section_cstart, $3  }
0xc4: {  	[dreg:$0x1] =	wrdreg $0xFFFFFFFF  }
0xc5: {  	_ =	task.clear_ibuf [dreg:s8], $0x2FFFF;
	_ =	strace $0x9FFFFFFF  }
0xc6: {  	(tm) =	ssettm $0x7FFFFFFF  }
0xc7: {  	_ =	shalt  }
tec
execute0_lowered:
.L_overlay_start_1:
0x0: {  	(tag) =	ssettag $0x1  }
0x1: {  	s10 =	rddreg [dreg:$0x0]  }
0x2: {  	s8 =	rddreg [dreg:$0x1]  }
0x3: {  	s4 =	rddreg [dreg:$0x2];
	s0 =	srdreg.scid  }
0x4: {  	s17 =	stileid.u32;
	s1 =	rddreg [dreg:$0x3]  }
0x5: {  	s2 =	rddreg [dreg:$0x4];
	s3 =	simm.s32 $0x0;
	s9 =	sand.u32 $0x1, s0  }
0x6: {  	s22 =	sshll.u32 s17, $0x1;
	s0 =	rddreg [dreg:$0x5];
	s15 =	smul.u32 $0x30C, s17  }
0x7: {  	[smem:$0x7FF] =	sst s3;
	p0 =	seq.s32 s17, $0x0;
	s19 =	smul.u32 $0x18600, s17  }
0x8: {  	s25 =	sshll.u32 s17, $0xD;
	s5 =	sor.u32 s9, s22;
	s16 =	smul.u32 $0x186, s9  }
0x9: {  	_ =	strace $0x80000047;
	s23 =	ssub.s32 $0x2, s9;
	s28 =	smul.u32 $0xC300, s9  }
0xa: {  	s7 =	sshll.u32 s9, $0xE;
	s6 =	smul.u32 $0x27, s5;
	s11 =	smin.u32 s5, $0x2  }
0xb: {  	s12 =	sshrl.u32 s23, $0x1;
	s14 =	sadd.s32 s7, s4;
	s4 =	simm.s32 $0x28  }
0xc: {  	s5 =	sadd.s32 s25, s1;
	s15 =	sadd.s32 s15, s8;
	s29 =	sadd.s32 s19, s10  }
0xd: {  	s12 =	ssub.s32 s23, s12;
	s4 =	simm.s32 @!p0 $0x27;
	s18 =	smul.u32 $0xA, s11  }
0xe: {  	s26 =	sadd.s32 s16, s15;
	s30 =	smul.u32 $0x500, s11;
	s6 =	sadd.s32 s11, s6  }
0xf: {  	s31 =	sadd.s32 s28, s29;
	s15 =	simm.s32 $0x5;
	s13 =	smul.u32 $0x500, s6  }
0x10: {  	s16 =	simm.s32 $0x7800;
	p0 =	sne.s32 s17, $0x0;
	s24 =	smul.u32 $0xA, s6  }
0x11: {  	s17 =	simm.s32 $0x0;
	s9 =	sadd.s32 $0xFFFFFFFF, s4;
	s11 =	sadd.s32 $0x9000, s14  }
0x12: {  	s12 =	smax.u32 s12, $0x1;
	s7 =	sadd.s32 s8, s24;
	s8 =	sadd.s32 s10, s13  }
0x13: {  	s10 =	sadd.s32 $0x1000, s14;
	s13 =	sadd.s32 s18, s26;
	s14 =	sadd.s32 s30, s31  }
0x14: {  	v0 =	vimm.f32 $0.0e+00;
	v1 =	vimm.f32 $1.000000000e+00;
	s6 =	sadd.s32 s25, s2;
	s13 =	sadd.s32 $0x14, s13;
	s14 =	sadd.s32 $0xA00, s14  }
.LBB2_1:
0x15: {  	s18 =	simm.s32 $0x0;
	s19 =	simm.s32 $0x200  }
.LBB2_2:
0x16: {  	p1 =	sne.s32 s19, $0x7E00;
	[tilespmem:s18+$0x70] =	vst v0  }
0x17: {  	[tilespmem:s18+$0x0] =	vst v0  }
0x18: {  	[tilespmem:s18+$0x10] =	vst v0  }
.Ltmp0:
0x19: {  	[tilespmem:s18+$0x20] =	vst v0;
	(pc) =	sbr.rel @p1 .LBB2_2-.Ltmp0, $4  }
0x1a: {  	[tilespmem:s18+$0x30] =	vst v0  }
0x1b: {  	[tilespmem:s18+$0x40] =	vst v0  }
0x1c: {  	[tilespmem:s18+$0x50] =	vst v0  }
0x1d: {  	[tilespmem:s18+$0x60] =	vst v0;
	s18 =	sshra.s32 s19, $0x2;
	s19 =	sadd.s32 $0x200, s19  }
0x1e: {  	[tilespmem:s18+$0x70] =	vst v0  }
0x1f: {  	[tilespmem:s18+$0x0] =	vst v0  }
0x20: {  	[tilespmem:s18+$0x10] =	vst v0  }
0x21: {  	[tilespmem:s18+$0x20] =	vst v0  }
0x22: {  	[tilespmem:s18+$0x30] =	vst v0  }
0x23: {  	[tilespmem:s18+$0x40] =	vst v0  }
0x24: {  	[tilespmem:s18+$0x50] =	vst v0  }
0x25: {  	[tilespmem:s18+$0x60] =	vst v0  }
0x26: {  	[spmem:s5] =	stream.linear.scatter [tilespmem:s3], [sflag:$0x5], $0x2000, $0x38;
	[tilespmem:$0xB900] =	vst v63  }
0x27: {  	_ =	swait.ge [sflag:s15], $0x2000  }
0x28: {  	[sflag:s15] =	ssyncset.done $0x0  }
0x29: {  	[sflag:s15] =	ssyncadd.s32 $0xFFFFE000  }
0x2a: {  	[spmem:s6] =	stream.linear.scatter [tilespmem:s3], [sflag:$0x5], $0x2000, $0x38;
	[tilespmem:$0xB900] =	vst v63  }
0x2b: {  	_ =	swait.ge [sflag:s15], $0x2000  }
0x2c: {  	[sflag:s15] =	ssyncset.done $0x0  }
0x2d: {  	s18 =	simm.s32 $0x70;
	s19 =	simm.s32 $0x3C0;
	[sflag:s15] =	ssyncadd.s32 $0xFFFFE000  }
.LBB2_4:
0x2e: {  	p1 =	sne.s32 s19, $0x9FC0;
	[tilespmem:s18+$0x5000] =	vst v1  }
0x2f: {  	[tilespmem:s18+$0x4F90] =	vst v1  }
0x30: {  	[tilespmem:s18+$0x4FA0] =	vst v1  }
.Ltmp1:
0x31: {  	[tilespmem:s18+$0x4FB0] =	vst v1;
	(pc) =	sbr.rel @p1 .LBB2_4-.Ltmp1, $4  }
0x32: {  	[tilespmem:s18+$0x4FC0] =	vst v1  }
0x33: {  	[tilespmem:s18+$0x4FD0] =	vst v1  }
0x34: {  	[tilespmem:s18+$0x4FE0] =	vst v1  }
0x35: {  	[tilespmem:s18+$0x4FF0] =	vst v1;
	s18 =	sshra.s32 s19, $0x2;
	s19 =	sadd.s32 $0x200, s19  }
0x36: {  	[tilespmem:s18+$0x5000] =	vst v1  }
0x37: {  	[tilespmem:s18+$0x4F90] =	vst v1  }
0x38: {  	[tilespmem:s18+$0x4FA0] =	vst v1  }
0x39: {  	[tilespmem:s18+$0x4FB0] =	vst v1  }
0x3a: {  	[tilespmem:s18+$0x4FC0] =	vst v1  }
0x3b: {  	[tilespmem:s18+$0x4FD0] =	vst v1  }
0x3c: {  	[tilespmem:s18+$0x4FE0] =	vst v1  }
0x3d: {  	[tilespmem:s18+$0x4FF0] =	vst v1  }
0x3e: {  	p1 =	sle.u32 s4, $0x0;
	[bflag:$0x0] =	sbarrier.arrive $0xFFFF  }
0x3f: {  	[tilespmem:s3], [sflag:$0x1] =	stream.linear.gather [hbm4b:s8+s3], $0x2800, $0x38;
	[tilespmem:$0xB900] =	vst v63  }
0x40: {  	s18 =	simm.s32 @!p1 $0x1  }
0x41: {  	[tilespmem:s16], [sflag:$0x3] =	stream.linear.gather [hbm4b:s7+s3], $0x50, $0x38;
	[tilespmem:$0xB900] =	vst v63  }
0x42: {  	_ =	swait.ge @!p1 [sflag:s18], $0x2800  }
0x43: {  	[sflag:s18] =	ssyncset.done @!p1 $0x0  }
0x44: {  	s19 =	simm.s32 @!p1 $0x3;
	p2 =	sle.u32 @!p1 s4, $0x1;
	[sflag:s18] =	ssyncadd.s32 @!p1 $0xFFFFD800  }
0x45: {  	p2 =	por p2, p1;
	_ =	swait.ge @!p1 [sflag:s19], $0x50  }
0x46: {  	s20 =	simm.s32 @!p2 $0x0;
	[sflag:s19] =	ssyncset.done @!p1 $0x0  }
0x47: {  	s18 =	sadd.s32 @!p2 $0xFFFFFB00, s14;
	[sflag:s19] =	ssyncadd.s32 @!p1 $0xFFFFFFB0;
	s19 =	simm.s32 @!p2 $0x2800  }
0x48: {  	[tilespmem:s19], [sflag:$0x2] =	stream.linear.gather @!p2 [hbm4b:s18+s20], $0x2800, $0x38;
	[tilespmem:$0xB900] =	vst v63  }
0x49: {  	s21 =	simm.s32 @!p2 $0x7880;
	s18 =	simm.s32 @!p1 $0x0;
	s19 =	sadd.s32 @!p2 $0xFFFFFFF6, s13  }
0x4a: {  	[tilespmem:s21], [sflag:$0x4] =	stream.linear.gather @!p2 [hbm4b:s19+s20], $0x50, $0x38;
	[tilespmem:$0xB900] =	vst v63  }
0x4b: {  	s19 =	simm.s32 @!p1 $0x50;
	s20 =	simm.s32 @!p1 $0x7800;
	s21 =	simm.s32 @!p1 $0x6  }
0x4c: {  	[spmem:s1] =	stream.indirect.scatter.add.f32 @!p1 [tilespmem:s18], [sflag:$0x6], $0x80, s20, s19, $0xb8;
	[tilespmem:$0xB900] =	vst v63  }
0x4d: {  	_ =	swait.ge @!p1 [sflag:s21], $0x2800  }
0x4e: {  	[sflag:s21] =	ssyncset.done @!p1 $0x0  }
0x4f: {  	s18 =	simm.s32 @!p1 $0x5000;
	[sflag:s21] =	ssyncadd.s32 @!p1 $0xFFFFD800  }
0x50: {  	[spmem:s2] =	stream.indirect.scatter.add.f32 @!p1 [tilespmem:s18], [sflag:$0x6], $0x80, s20, s19, $0xb8;
	[tilespmem:$0xB900] =	vst v63  }
0x51: {  	_ =	swait.ge @!p1 [sflag:s21], $0x2800  }
0x52: {  	p2 =	sle.u32 s9, $0x0;
	[sflag:s21] =	ssyncset.done @!p1 $0x0  }
0x53: {  	s18 =	simm.s32 @!p2 $0x2;
	[sflag:s21] =	ssyncadd.s32 @!p1 $0xFFFFD800  }
0x54: {  	_ =	swait.ge @!p2 [sflag:s18], $0x2800  }
0x55: {  	[sflag:s18] =	ssyncset.done @!p2 $0x0  }
0x56: {  	s19 =	simm.s32 @!p2 $0x4;
	[sflag:s18] =	ssyncadd.s32 @!p2 $0xFFFFD800  }
0x57: {  	p1 =	sle.u32 @!p2 s4, $0x2;
	_ =	swait.ge @!p2 [sflag:s19], $0x50  }
0x58: {  	p1 =	por p1, p2;
	[sflag:s19] =	ssyncset.done @!p2 $0x0  }
0x59: {  	s18 =	simm.s32 @!p1 $0x0;
	[sflag:s19] =	ssyncadd.s32 @!p2 $0xFFFFFFB0  }
0x5a: {  	[tilespmem:s18], [sflag:$0x1] =	stream.linear.gather @!p1 [hbm4b:s14+s18], $0x2800, $0x38;
	[tilespmem:$0xB900] =	vst v63  }
0x5b: {  	s22 =	simm.s32 @!p2 $0x50;
	s19 =	simm.s32 @!p1 $0x7800  }
0x5c: {  	[tilespmem:s19], [sflag:$0x3] =	stream.linear.gather @!p1 [hbm4b:s13+s18], $0x50, $0x38;
	[tilespmem:$0xB900] =	vst v63  }
0x5d: {  	s23 =	simm.s32 @!p2 $0x6;
	s18 =	simm.s32 @!p2 $0x7880;
	s19 =	simm.s32 @!p2 $0x2800  }
0x5e: {  	[spmem:s1] =	stream.indirect.scatter.add.f32 @!p2 [tilespmem:s19], [sflag:$0x6], $0x80, s18, s22, $0xb8;
	[tilespmem:$0xB900] =	vst v63  }
0x5f: {  	_ =	swait.ge @!p2 [sflag:s23], $0x2800  }
0x60: {  	s20 =	simm.s32 $0x4;
	[sflag:s23] =	ssyncset.done @!p2 $0x0  }
0x61: {  	s21 =	simm.s32 $0x6;
	s19 =	simm.s32 @!p2 $0x5000;
	[sflag:s23] =	ssyncadd.s32 @!p2 $0xFFFFD800  }
0x62: {  	[spmem:s2] =	stream.indirect.scatter.add.f32 @!p2 [tilespmem:s19], [sflag:$0x5], $0x80, s18, s22, $0xb8;
	[tilespmem:$0xB900] =	vst v63  }
0x63: {  	p1 =	sle.u32 s4, $0x2;
	s23 =	simm.s32 @!p2 $0x5;
	s18 =	sadd.s32 $0xA00, s14  }
0x64: {  	s22 =	simm.s32 $0x2;
	s19 =	sadd.s32 $0x14, s13;
	_ =	swait.ge @!p2 [sflag:s23], $0x2800  }
.LBB2_6:
0x65: {  	s24 =	simm.s32 @!p1 $0x1  }
0x66: {  	[sflag:s23] =	ssyncset.done @!p2 $0x0;
	s25 =	smov.u32 s21;
	s21 =	sadd.s32 $0x2, s21  }
0x67: {  	p3 =	sne.s32 s21, $0x2A;
	[sflag:s23] =	ssyncadd.s32 @!p2 $0xFFFFD800  }
0x68: {  	_ =	swait.ge @!p1 [sflag:s24], $0x2800  }
0x69: {  	s26 =	sadd.s32 @!p1 $0xFFFFFFFF, s20;
	s23 =	simm.s32 @!p1 $0x3;
	[sflag:s24] =	ssyncset.done @!p1 $0x0  }
0x6a: {  	p2 =	sge.u32 @!p1 s26, s4;
	[sflag:s24] =	ssyncadd.s32 @!p1 $0xFFFFD800  }
0x6b: {  	p2 =	por p2, p1;
	s24 =	simm.s32 @!p1 $0x0;
	_ =	swait.ge @!p1 [sflag:s23], $0x50  }
0x6c: {  	s26 =	sadd.s32 @!p2 $0xFFFFFB00, s18;
	s28 =	simm.s32 @!p2 $0x0;
	[sflag:s23] =	ssyncset.done @!p1 $0x0  }
0x6d: {  	s29 =	sadd.s32 @!p2 $0xFFFFFFF6, s19;
	[sflag:s23] =	ssyncadd.s32 @!p1 $0xFFFFFFB0;
	s23 =	simm.s32 @!p2 $0x2800  }
0x6e: {  	[tilespmem:s23], [sflag:$0x2] =	stream.linear.gather @!p2 [hbm4b:s26+s28], $0x2800, $0x38;
	[tilespmem:$0xB900] =	vst v63  }
0x6f: {  	s30 =	simm.s32 @!p1 $0x7800;
	s23 =	simm.s32 @!p2 $0x7880;
	s26 =	simm.s32 @!p1 $0x50  }
0x70: {  	[tilespmem:s23], [sflag:$0x4] =	stream.linear.gather @!p2 [hbm4b:s29+s28], $0x50, $0x38;
	[tilespmem:$0xB900] =	vst v63  }
0x71: {  	s23 =	simm.s32 @!p1 $0x6  }
0x72: {  	[spmem:s1] =	stream.indirect.scatter.add.f32 @!p1 [tilespmem:s24], [sflag:$0x6], $0x80, s30, s26, $0xb8;
	[tilespmem:$0xB900] =	vst v63  }
0x73: {  	_ =	swait.ge @!p1 [sflag:s23], $0x2800  }
0x74: {  	s24 =	simm.s32 @!p1 $0x5000;
	[sflag:s23] =	ssyncset.done @!p1 $0x0  }
0x75: {  	[sflag:s23] =	ssyncadd.s32 @!p1 $0xFFFFD800  }
0x76: {  	[spmem:s2] =	stream.indirect.scatter.add.f32 @!p1 [tilespmem:s24], [sflag:$0x6], $0x80, s30, s26, $0xb8;
	[tilespmem:$0xB900] =	vst v63  }
0x77: {  	p2 =	sge.u32 s22, s9;
	_ =	swait.ge @!p1 [sflag:s23], $0x2800  }
0x78: {  	s22 =	simm.s32 @!p2 $0x2;
	p4 =	sge.u32 @!p2 s20, s4;
	[sflag:s23] =	ssyncset.done @!p1 $0x0  }
0x79: {  	s20 =	smov.u32 s25;
	[sflag:s23] =	ssyncadd.s32 @!p1 $0xFFFFD800  }
0x7a: {  	_ =	swait.ge @!p2 [sflag:s22], $0x2800  }
0x7b: {  	s23 =	simm.s32 @!p2 $0x4;
	[sflag:s22] =	ssyncset.done @!p2 $0x0  }
0x7c: {  	[sflag:s22] =	ssyncadd.s32 @!p2 $0xFFFFD800  }
0x7d: {  	p1 =	por p4, p2;
	_ =	swait.ge @!p2 [sflag:s23], $0x50  }
0x7e: {  	s22 =	simm.s32 @!p1 $0x0;
	[sflag:s23] =	ssyncset.done @!p2 $0x0  }
0x7f: {  	[sflag:s23] =	ssyncadd.s32 @!p2 $0xFFFFFFB0;
	s23 =	simm.s32 @!p1 $0x7800  }
0x80: {  	[tilespmem:s22], [sflag:$0x1] =	stream.linear.gather @!p1 [hbm4b:s18+s22], $0x2800, $0x38;
	[tilespmem:$0xB900] =	vst v63  }
0x81: {  	s25 =	simm.s32 @!p2 $0x7880;
	s24 =	simm.s32 @!p2 $0x50;
	s26 =	simm.s32 @!p2 $0x2800  }
0x82: {  	[tilespmem:s23], [sflag:$0x3] =	stream.linear.gather @!p1 [hbm4b:s19+s22], $0x50, $0x38;
	[tilespmem:$0xB900] =	vst v63  }
0x83: {  	s23 =	simm.s32 @!p2 $0x6  }
0x84: {  	[spmem:s1] =	stream.indirect.scatter.add.f32 @!p2 [tilespmem:s26], [sflag:$0x6], $0x80, s25, s24, $0xb8;
	[tilespmem:$0xB900] =	vst v63  }
.Ltmp2:
0x85: {  	_ =	swait.ge @!p2 [sflag:s23], $0x2800;
	(pc) =	sbr.rel @p3 .LBB2_6-.Ltmp2, $4  }
0x86: {  	s18 =	sadd.s32 $0xA00, s18;
	s26 =	simm.s32 @!p2 $0x5000;
	[sflag:s23] =	ssyncset.done @!p2 $0x0  }
0x87: {  	s22 =	sadd.s32 $0xFFFFFFFE, s20;
	[sflag:s23] =	ssyncadd.s32 @!p2 $0xFFFFD800;
	s23 =	simm.s32 @!p2 $0x5  }
0x88: {  	[spmem:s2] =	stream.indirect.scatter.add.f32 @!p2 [tilespmem:s26], [sflag:$0x5], $0x80, s25, s24, $0xb8;
	[tilespmem:$0xB900] =	vst v63  }
0x89: {  	s19 =	sadd.s32 $0x14, s19;
	p1 =	sge.u32 s22, s4;
	_ =	swait.ge @!p2 [sflag:s23], $0x2800  }
0x8a: {  	[sflag:s23] =	ssyncset.done @!p2 $0x0  }
0x8b: {  	s21 =	simm.s32 @!p1 $0x1;
	[sflag:s23] =	ssyncadd.s32 @!p2 $0xFFFFD800  }
0x8c: {  	_ =	swait.ge @!p1 [sflag:s21], $0x2800  }
0x8d: {  	s23 =	sadd.s32 @!p1 $0xFFFFFFFF, s20;
	[sflag:s21] =	ssyncset.done @!p1 $0x0  }
0x8e: {  	s24 =	simm.s32 @!p1 $0x3;
	p2 =	sge.u32 @!p1 s23, s4;
	[sflag:s21] =	ssyncadd.s32 @!p1 $0xFFFFD800  }
0x8f: {  	p2 =	por p2, p1;
	_ =	swait.ge @!p1 [sflag:s24], $0x50  }
0x90: {  	s21 =	sadd.s32 @!p2 $0xFFFFFB00, s18;
	[sflag:s24] =	ssyncset.done @!p1 $0x0  }
0x91: {  	s23 =	simm.s32 @!p2 $0x0;
	[sflag:s24] =	ssyncadd.s32 @!p1 $0xFFFFFFB0;
	s24 =	simm.s32 @!p2 $0x2800  }
0x92: {  	[tilespmem:s24], [sflag:$0x2] =	stream.linear.gather @!p2 [hbm4b:s21+s23], $0x2800, $0x38;
	[tilespmem:$0xB900] =	vst v63  }
0x93: {  	s25 =	simm.s32 @!p2 $0x7880;
	s21 =	simm.s32 @!p1 $0x0;
	s24 =	sadd.s32 @!p2 $0xFFFFFFF6, s19  }
0x94: {  	[tilespmem:s25], [sflag:$0x4] =	stream.linear.gather @!p2 [hbm4b:s24+s23], $0x50, $0x38;
	[tilespmem:$0xB900] =	vst v63  }
0x95: {  	s23 =	simm.s32 @!p1 $0x50;
	s24 =	simm.s32 @!p1 $0x7800;
	s25 =	simm.s32 @!p1 $0x6  }
0x96: {  	[spmem:s1] =	stream.indirect.scatter.add.f32 @!p1 [tilespmem:s21], [sflag:$0x6], $0x80, s24, s23, $0xb8;
	[tilespmem:$0xB900] =	vst v63  }
0x97: {  	_ =	swait.ge @!p1 [sflag:s25], $0x2800  }
0x98: {  	[sflag:s25] =	ssyncset.done @!p1 $0x0  }
0x99: {  	s21 =	simm.s32 @!p1 $0x5000;
	[sflag:s25] =	ssyncadd.s32 @!p1 $0xFFFFD800  }
0x9a: {  	[spmem:s2] =	stream.indirect.scatter.add.f32 @!p1 [tilespmem:s21], [sflag:$0x6], $0x80, s24, s23, $0xb8;
	[tilespmem:$0xB900] =	vst v63  }
0x9b: {  	_ =	swait.ge @!p1 [sflag:s25], $0x2800  }
0x9c: {  	p2 =	sge.u32 s22, s9;
	[sflag:s25] =	ssyncset.done @!p1 $0x0  }
0x9d: {  	s21 =	simm.s32 @!p2 $0x2;
	[sflag:s25] =	ssyncadd.s32 @!p1 $0xFFFFD800  }
0x9e: {  	_ =	swait.ge @!p2 [sflag:s21], $0x2800  }
0x9f: {  	[sflag:s21] =	ssyncset.done @!p2 $0x0  }
0xa0: {  	s22 =	simm.s32 @!p2 $0x4;
	[sflag:s21] =	ssyncadd.s32 @!p2 $0xFFFFD800  }
0xa1: {  	p1 =	sge.u32 @!p2 s20, s4;
	_ =	swait.ge @!p2 [sflag:s22], $0x50  }
0xa2: {  	p1 =	por p1, p2;
	[sflag:s22] =	ssyncset.done @!p2 $0x0  }
0xa3: {  	s20 =	simm.s32 @!p1 $0x0;
	[sflag:s22] =	ssyncadd.s32 @!p2 $0xFFFFFFB0  }
0xa4: {  	[tilespmem:s20], [sflag:$0x1] =	stream.linear.gather @!p1 [hbm4b:s18+s20], $0x2800, $0x38;
	[tilespmem:$0xB900] =	vst v63  }
0xa5: {  	s21 =	simm.s32 @!p2 $0x50;
	s18 =	simm.s32 @!p1 $0x7800  }
0xa6: {  	[tilespmem:s18], [sflag:$0x3] =	stream.linear.gather @!p1 [hbm4b:s19+s20], $0x50, $0x38;
	[tilespmem:$0xB900] =	vst v63  }
0xa7: {  	s18 =	simm.s32 @!p2 $0x7880;
	s19 =	simm.s32 @!p2 $0x2800;
	s20 =	simm.s32 @!p2 $0x6  }
0xa8: {  	[spmem:s1] =	stream.indirect.scatter.add.f32 @!p2 [tilespmem:s19], [sflag:$0x6], $0x80, s18, s21, $0xb8;
	[tilespmem:$0xB900] =	vst v63  }
0xa9: {  	_ =	swait.ge @!p2 [sflag:s20], $0x2800  }
0xaa: {  	[sflag:s20] =	ssyncset.done @!p2 $0x0  }
0xab: {  	s19 =	simm.s32 @!p2 $0x5000;
	[sflag:s20] =	ssyncadd.s32 @!p2 $0xFFFFD800;
	s20 =	simm.s32 @!p2 $0x5  }
0xac: {  	[spmem:s2] =	stream.indirect.scatter.add.f32 @!p2 [tilespmem:s19], [sflag:$0x5], $0x80, s18, s21, $0xb8;
	[tilespmem:$0xB900] =	vst v63  }
0xad: {  	_ =	swait.ge @!p2 [sflag:s20], $0x2800  }
0xae: {  	[sflag:s20] =	ssyncset.done @!p2 $0x0  }
0xaf: {  	[sflag:s20] =	ssyncadd.s32 @!p2 $0xFFFFD800  }
0xb0: {  	s18 =	sshrl.u32 @!p0 s1, $0x3;
	s19 =	simm.s32 @!p0 $0x1C05;
	[bflag:$0x0] =	sbarrier.arrive $0xFFFF  }
0xb1: {  	[hbm:s10], [sflag:s19] =	dma.local @!p0 [spmem:s18], $0x4000  }
0xb2: {  	s18 =	simm.s32 @!p0 $0x5  }
0xb3: {  	s17 =	sadd.s32 $0x1, s17;
	_ =	swait.ge @!p0 [sflag:s18], $0x4000  }
0xb4: {  	p1 =	sne.s32 s17, s12;
	[sflag:s18] =	ssyncset.done @!p0 $0x0  }
.Ltmp3:
0xb5: {  	s20 =	sshrl.u32 @!p0 s2, $0x3;
	[sflag:s18] =	ssyncadd.s32 @!p0 $0xFFFFC000;
	(pc) =	sbr.rel @p1 .LBB2_1-.Ltmp3, $4  }
0xb6: {  	[hbm:s11], [sflag:s19] =	dma.local @!p0 [spmem:s20], $0x4000  }
0xb7: {  	_ =	swait.ge @!p0 [sflag:s18], $0x4000  }
0xb8: {  	[sflag:s18] =	ssyncset.done @!p0 $0x0  }
0xb9: {  	[sflag:s18] =	ssyncadd.s32 @!p0 $0xFFFFC000  }
0xba: {  	_ =	sfence.sel $0x180000  }
0xbb: {  	[bflag:$0x0] =	sbarrier.arrive $0xFFFF  }
0xbc: {  	_ =	strace $0x90000047  }
0xbd: {  	s0 =	sadd.s32 @!p0 $0x100000, s0;
	[bflag:$0x2] =	sbarrier.arrive $0xFFFF  }
0xbe: {  	[sflag:s0] =	ssyncadd.tile.s32 @!p0 $0x1;
	_ =	shalt  }
.Lfunc_end2:
_tile_overlayer_lowered:
.L_overlay_start_2:
0xbf: {  	(tag) =	ssettag $0x2  }
0xc0: {  	s0 =	rddreg [dreg:$0x0];
	s2 =	stileid.u32  }
0xc1: {  	s1 =	rddreg [dreg:$0x1];
	p0 =	sne.s32 s2, $0x0  }
0xc2: {  	s3 =	rddreg [dreg:$0x2];
	[bflag:$0x3] =	sbarrier.arrive $0xFFFF;
	s2 =	simm.s32 @!p0 $0x1C05  }
0xc3: {  	[timem:s3], [sflag:s2] =	dma.local @!p0 [hbm:s0], s1  }
0xc4: {  	s0 =	simm.s32 @!p0 $0x5  }
0xc5: {  	_ =	swait.ge @!p0 [sflag:s0], s1  }
0xc6: {  	s1 =	ssub.s32 @!p0 $0x0, s1;
	[sflag:s0] =	ssyncset.done @!p0 $0x0  }
0xc7: {  	[sflag:s0] =	ssyncadd.s32 @!p0 s1  }
0xc8: {  	[bflag:$0x3] =	sbarrier.arrive $0xFFFF  }
0xc9: {  	_ =	shalt  }

</sc_bundles>
